<compile_context>
chip_gen: v7x
topology: tpu7x:2x2x1
jax: 0.10.2.dev20260603
libtpu: 0.0.44.dev20260713+nightly
codegen_flags: <defaults>
</compile_context>

<pallas_src>
import functools

import jax
import jax.numpy as jnp
from jax import lax
from jax.experimental import pallas as pl
from jax.experimental.pallas import tpu as pltpu
from jax.experimental.pallas import tpu_sc as plsc

_info = plsc.get_sparse_core_info()
_NC, _NS = _info.num_cores, _info.num_subcores
_NW = _NC * _NS

_CHUNK = 512
_NBUF = 2


def kernel(indexes, codebook):
    (B,) = indexes.shape
    V, D = codebook.shape
    b_per_w = B // _NW
    steps = b_per_w // _CHUNK
    blocks = steps // _NBUF
    mesh = plsc.VectorSubcoreMesh(core_axis_name="c", subcore_axis_name="s")

    @functools.partial(
        pl.kernel,
        mesh=mesh,
        out_type=jax.ShapeDtypeStruct((B, D), jnp.float32),
        compiler_params=pltpu.CompilerParams(use_tc_tiling_on_sc=False),
        scratch_types=[
            pltpu.VMEM((b_per_w,), jnp.int32),
            pltpu.VMEM((_CHUNK, D), jnp.float32),
            pltpu.VMEM((_CHUNK, D), jnp.float32),
            pltpu.SemaphoreType.DMA,
            pltpu.SemaphoreType.DMA,
            pltpu.SemaphoreType.DMA,
            pltpu.SemaphoreType.DMA,
            pltpu.SemaphoreType.DMA,
            pltpu.SemaphoreType.DMA,
            pltpu.VMEM_SHARED((V, D), jnp.float32),
        ],
    )
    def gather_kernel(idx_hbm, table_hbm, out_hbm,
                      idx_v, rows0, rows1, si, sg, ss, sa, sb, sstage,
                      table_sp):
        rows = (rows0, rows1)
        sid = lax.axis_index("s")
        wid = sid * _NC + lax.axis_index("c")
        base = wid * b_per_w
        rest = b_per_w - _NBUF * _CHUNK

        pltpu.async_copy(idx_hbm.at[pl.ds(base, _NBUF * _CHUNK)],
                         idx_v.at[pl.ds(0, _NBUF * _CHUNK)], si)
        v_per_s = V // _NS
        pltpu.async_copy(table_hbm.at[pl.ds(sid * v_per_s, v_per_s)],
                         table_sp.at[pl.ds(sid * v_per_s, v_per_s)], sstage)
        pltpu.async_copy(idx_hbm.at[pl.ds(base + _NBUF * _CHUNK, rest)],
                         idx_v.at[pl.ds(_NBUF * _CHUNK, rest)], si)

        pltpu.make_async_copy(idx_hbm.at[pl.ds(0, _NBUF * _CHUNK)],
                              idx_v.at[pl.ds(0, _NBUF * _CHUNK)], si).wait()
        pltpu.async_copy(table_hbm.at[idx_v.at[pl.ds(0, _CHUNK)]], rows[0], sa)
        pltpu.async_copy(table_hbm.at[idx_v.at[pl.ds(_CHUNK, _CHUNK)]],
                         rows[1], sb)

        pltpu.make_async_copy(idx_hbm.at[pl.ds(0, rest)],
                              idx_v.at[pl.ds(0, rest)], si).wait()
        pltpu.make_async_copy(table_hbm.at[pl.ds(0, v_per_s)],
                              table_sp.at[pl.ds(0, v_per_s)], sstage).wait()
        plsc.subcore_barrier()

        pltpu.make_async_copy(out_hbm.at[pl.ds(0, _CHUNK)], rows[0], sa).wait()
        pltpu.async_copy(rows[0], out_hbm.at[pl.ds(base, _CHUNK)], sg)
        pltpu.make_async_copy(out_hbm.at[pl.ds(0, _CHUNK)], rows[1], sb).wait()
        pltpu.async_copy(rows[1], out_hbm.at[pl.ds(base + _CHUNK, _CHUNK)], ss)

        def block(k, carry):
            for b in range(_NBUF):
                g = k * _NBUF + b
                off = g * _CHUNK
                sem = sg if b == 0 else ss

                pltpu.make_async_copy(out_hbm.at[pl.ds(0, _CHUNK)],
                                      rows[b], sem).wait()

                pltpu.async_copy(table_sp.at[idx_v.at[pl.ds(off, _CHUNK)]],
                                 rows[b], si).wait()
                pltpu.async_copy(rows[b],
                                 out_hbm.at[pl.ds(base + off, _CHUNK)], sem)
            return carry

        lax.fori_loop(1, blocks, block, 0)

        pltpu.make_async_copy(out_hbm.at[pl.ds(0, _CHUNK)], rows[0], sg).wait()
        pltpu.make_async_copy(out_hbm.at[pl.ds(0, _CHUNK)], rows[1], ss).wait()

    return gather_kernel(indexes.astype(jnp.int32), codebook)

# --- scband reference (transcript-rebuilt; emitter-appended) ---
"""Pipeline reference for scband-quantized-params-39101382262947 (READ-ONLY COPY).

The authoritative reference and input builder live on the scoring server;
editing this copy changes nothing except your own understanding.
"""

import jax, jax.numpy as jnp
import numpy as np


def setup_inputs(seed: int = 0) -> dict:
    key = jax.random.key(seed)
    k1, k2 = jax.random.split(key)
    indexes = jax.random.randint(k1, (1048576,), 0, 8192, dtype=jnp.int32)
    codebook = jax.random.normal(k2, (8192, 64), dtype=jnp.float32)
    return {"indexes": indexes, "codebook": codebook}


def reference(indexes, codebook):
    # Faithful translation of QuantizedParams.forward():
    #   return self.codebook[self.indexes.to(torch.int32)]
    idx = indexes.astype(jnp.int32)
    return jnp.take(codebook, idx, axis=0)

if __name__ == "__main__":
    import jax
    _d = setup_inputs()
    print(jax.jit(kernel)(*tuple(_d.values())))

</pallas_src>

<mosaic_0001>
#map = affine_map<(d0, d1) -> (0)>
#map1 = affine_map<(d0, d1) -> (0, 0)>
module attributes {stable_mosaic.version = 14 : i64} {
  func.func @gather_kernel(%arg0: i32, %arg1: i32, %arg2: memref<1048576xi32, #tpu.memory_space<hbm>>, %arg3: memref<8192x64xf32, #tpu.memory_space<hbm>>, %arg4: memref<1048576x64xf32, #tpu.memory_space<hbm>>, %arg5: memref<32768xi32, #tpu.memory_space<vmem>>, %arg6: memref<512x64xf32, #tpu.memory_space<vmem>>, %arg7: memref<512x64xf32, #tpu.memory_space<vmem>>, %arg8: memref<!tpu.dma_semaphore, #tpu.memory_space<semaphore_mem>>, %arg9: memref<!tpu.dma_semaphore, #tpu.memory_space<semaphore_mem>>, %arg10: memref<!tpu.dma_semaphore, #tpu.memory_space<semaphore_mem>>, %arg11: memref<!tpu.dma_semaphore, #tpu.memory_space<semaphore_mem>>, %arg12: memref<!tpu.dma_semaphore, #tpu.memory_space<semaphore_mem>>, %arg13: memref<!tpu.dma_semaphore, #tpu.memory_space<semaphore_mem>>, %arg14: memref<8192x64xf32, #tpu.memory_space<vmem_shared>>) attributes {dimension_semantics = [#tpu.dimension_semantics<core_parallel>, #tpu.dimension_semantics<subcore_parallel>], iteration_bounds = array<i64: 2, 16>, scalar_prefetch = 0 : i64, scratch_operands = 10 : i64, tpu.core_type = #tpu.core_type<sc_vector_subcore>, window_params = [{transform_indices = #map}, {transform_indices = #map1}, {transform_indices = #map1}]} {
    %mul3A = arith.constant 2 : i32
    %mul3A_0 = arith.muli %arg1, %mul3A : i32
    %add3A = arith.addi %mul3A_0, %arg0 : i32
    %mul3A_1 = arith.constant 32768 : i32
    %mul3A_2 = arith.muli %add3A, %mul3A_1 : i32
    %dma_start3A = arith.constant 0 : i32
    %dma_start3A_3 = tpu.memref_slice %arg5[%dma_start3A] : memref<32768xi32, #tpu.memory_space<vmem>> -> memref<1024xi32, #tpu.memory_space<vmem>>
    %dma_start3A_4 = tpu.memref_slice %arg2[%mul3A_2] : memref<1048576xi32, #tpu.memory_space<hbm>> -> memref<1024xi32, #tpu.memory_space<hbm>>
    %dma_start3A_5 = arith.constant 0 : i32
    %dma_start3A_6 = tpu.memref_slice %arg5[%dma_start3A_5] : memref<32768xi32, #tpu.memory_space<vmem>> -> memref<1024xi32, #tpu.memory_space<vmem>>
    %dma_start3A_7 = tpu.memref_slice %arg2[%mul3A_2] : memref<1048576xi32, #tpu.memory_space<hbm>> -> memref<1024xi32, #tpu.memory_space<hbm>>
    tpu.enqueue_dma source(%dma_start3A_7 : memref<1024xi32, #tpu.memory_space<hbm>>) target(%dma_start3A_6 : memref<1024xi32, #tpu.memory_space<vmem>>) target_semaphore(%arg8 : memref<!tpu.dma_semaphore, #tpu.memory_space<semaphore_mem>>)
    %mul3A_8 = arith.constant 512 : i32
    %mul3A_9 = arith.muli %arg1, %mul3A_8 : i32
    %mul3A_10 = arith.constant 512 : i32
    %mul3A_11 = arith.muli %arg1, %mul3A_10 : i32
    %dma_start3A_12 = arith.constant 0 : i32
    %dma_start3A_13 = tpu.memref_slice %arg14[%mul3A_11, %dma_start3A_12] : memref<8192x64xf32, #tpu.memory_space<vmem_shared>> -> memref<512x64xf32, #tpu.memory_space<vmem_shared>>
    %dma_start3A_14 = arith.constant 0 : i32
    %dma_start3A_15 = tpu.memref_slice %arg3[%mul3A_9, %dma_start3A_14] : memref<8192x64xf32, #tpu.memory_space<hbm>> -> memref<512x64xf32, #tpu.memory_space<hbm>>
    tpu.enqueue_dma source(%dma_start3A_15 : memref<512x64xf32, #tpu.memory_space<hbm>>) target(%dma_start3A_13 : memref<512x64xf32, #tpu.memory_space<vmem_shared>>) target_semaphore(%arg13 : memref<!tpu.dma_semaphore, #tpu.memory_space<semaphore_mem>>)
    %add3A_16 = arith.constant 1024 : i32
    %add3A_17 = arith.addi %mul3A_2, %add3A_16 : i32
    %dma_start3A_18 = arith.constant 1024 : i32
    %dma_start3A_19 = tpu.memref_slice %arg5[%dma_start3A_18] : memref<32768xi32, #tpu.memory_space<vmem>> -> memref<31744xi32, #tpu.memory_space<vmem>>
    %dma_start3A_20 = tpu.memref_slice %arg2[%add3A_17] : memref<1048576xi32, #tpu.memory_space<hbm>> -> memref<31744xi32, #tpu.memory_space<hbm>>
    %dma_start3A_21 = arith.constant 1024 : i32
    %dma_start3A_22 = tpu.memref_slice %arg5[%dma_start3A_21] : memref<32768xi32, #tpu.memory_space<vmem>> -> memref<31744xi32, #tpu.memory_space<vmem>>
    %dma_start3A_23 = tpu.memref_slice %arg2[%add3A_17] : memref<1048576xi32, #tpu.memory_space<hbm>> -> memref<31744xi32, #tpu.memory_space<hbm>>
    tpu.enqueue_dma source(%dma_start3A_23 : memref<31744xi32, #tpu.memory_space<hbm>>) target(%dma_start3A_22 : memref<31744xi32, #tpu.memory_space<vmem>>) target_semaphore(%arg8 : memref<!tpu.dma_semaphore, #tpu.memory_space<semaphore_mem>>)
    %dma_wait3A = arith.constant 0 : i32
    %dma_wait3A_24 = tpu.memref_slice %arg5[%dma_wait3A] : memref<32768xi32, #tpu.memory_space<vmem>> -> memref<1024xi32, #tpu.memory_space<vmem>>
    %dma_wait3A_25 = arith.constant 0 : i32
    %dma_wait3A_26 = tpu.memref_slice %arg2[%dma_wait3A_25] : memref<1048576xi32, #tpu.memory_space<hbm>> -> memref<1024xi32, #tpu.memory_space<hbm>>
    %dma_wait3A_27 = arith.constant 0 : i32
    %dma_wait3A_28 = tpu.memref_slice %arg5[%dma_wait3A_27] : memref<32768xi32, #tpu.memory_space<vmem>> -> memref<1024xi32, #tpu.memory_space<vmem>>
    %dma_wait3A_29 = arith.constant 0 : i32
    %dma_wait3A_30 = tpu.memref_slice %arg2[%dma_wait3A_29] : memref<1048576xi32, #tpu.memory_space<hbm>> -> memref<1024xi32, #tpu.memory_space<hbm>>
    tpu.wait_dma2 semaphore(%arg8 : memref<!tpu.dma_semaphore, #tpu.memory_space<semaphore_mem>>) src(%dma_wait3A_30 : memref<1024xi32, #tpu.memory_space<hbm>>) dst(%dma_wait3A_28 : memref<1024xi32, #tpu.memory_space<vmem>>)
    %dma_start3A_31 = arith.constant 0 : i32
    %dma_start3A_32 = tpu.memref_slice %arg5[%dma_start3A_31] : memref<32768xi32, #tpu.memory_space<vmem>> -> memref<512xi32, #tpu.memory_space<vmem>>
    %dma_start3A_33 = arith.constant 0 : i32
    %dma_start3A_34 = arith.constant 0 : i32
    %dma_start3A_35 = tpu.memref_slice %arg3[%dma_start3A_33, %dma_start3A_34] : memref<8192x64xf32, #tpu.memory_space<hbm>> -> memref<8192x64xf32, #tpu.memory_space<hbm>>
    tpu.enqueue_indirect_dma source(%dma_start3A_35 : memref<8192x64xf32, #tpu.memory_space<hbm>>) target(%arg6 : memref<512x64xf32, #tpu.memory_space<vmem>>) offsets(%dma_start3A_32 : memref<512xi32, #tpu.memory_space<vmem>>) semaphore(%arg11 : memref<!tpu.dma_semaphore, #tpu.memory_space<semaphore_mem>>)
    %dma_start3A_36 = arith.constant 512 : i32
    %dma_start3A_37 = tpu.memref_slice %arg5[%dma_start3A_36] : memref<32768xi32, #tpu.memory_space<vmem>> -> memref<512xi32, #tpu.memory_space<vmem>>
    %dma_start3A_38 = arith.constant 0 : i32
    %dma_start3A_39 = arith.constant 0 : i32
    %dma_start3A_40 = tpu.memref_slice %arg3[%dma_start3A_38, %dma_start3A_39] : memref<8192x64xf32, #tpu.memory_space<hbm>> -> memref<8192x64xf32, #tpu.memory_space<hbm>>
    tpu.enqueue_indirect_dma source(%dma_start3A_40 : memref<8192x64xf32, #tpu.memory_space<hbm>>) target(%arg7 : memref<512x64xf32, #tpu.memory_space<vmem>>) offsets(%dma_start3A_37 : memref<512xi32, #tpu.memory_space<vmem>>) semaphore(%arg12 : memref<!tpu.dma_semaphore, #tpu.memory_space<semaphore_mem>>)
    %dma_wait3A_41 = arith.constant 0 : i32
    %dma_wait3A_42 = tpu.memref_slice %arg5[%dma_wait3A_41] : memref<32768xi32, #tpu.memory_space<vmem>> -> memref<31744xi32, #tpu.memory_space<vmem>>
    %dma_wait3A_43 = arith.constant 0 : i32
    %dma_wait3A_44 = tpu.memref_slice %arg2[%dma_wait3A_43] : memref<1048576xi32, #tpu.memory_space<hbm>> -> memref<31744xi32, #tpu.memory_space<hbm>>
    %dma_wait3A_45 = arith.constant 0 : i32
    %dma_wait3A_46 = tpu.memref_slice %arg5[%dma_wait3A_45] : memref<32768xi32, #tpu.memory_space<vmem>> -> memref<31744xi32, #tpu.memory_space<vmem>>
    %dma_wait3A_47 = arith.constant 0 : i32
    %dma_wait3A_48 = tpu.memref_slice %arg2[%dma_wait3A_47] : memref<1048576xi32, #tpu.memory_space<hbm>> -> memref<31744xi32, #tpu.memory_space<hbm>>
    tpu.wait_dma2 semaphore(%arg8 : memref<!tpu.dma_semaphore, #tpu.memory_space<semaphore_mem>>) src(%dma_wait3A_48 : memref<31744xi32, #tpu.memory_space<hbm>>) dst(%dma_wait3A_46 : memref<31744xi32, #tpu.memory_space<vmem>>)
    %dma_wait3A_49 = arith.constant 0 : i32
    %dma_wait3A_50 = arith.constant 0 : i32
    %dma_wait3A_51 = tpu.memref_slice %arg14[%dma_wait3A_49, %dma_wait3A_50] : memref<8192x64xf32, #tpu.memory_space<vmem_shared>> -> memref<512x64xf32, #tpu.memory_space<vmem_shared>>
    %dma_wait3A_52 = arith.constant 0 : i32
    %dma_wait3A_53 = arith.constant 0 : i32
    %dma_wait3A_54 = tpu.memref_slice %arg3[%dma_wait3A_52, %dma_wait3A_53] : memref<8192x64xf32, #tpu.memory_space<hbm>> -> memref<512x64xf32, #tpu.memory_space<hbm>>
    tpu.wait_dma2 semaphore(%arg13 : memref<!tpu.dma_semaphore, #tpu.memory_space<semaphore_mem>>) src(%dma_wait3A_54 : memref<512x64xf32, #tpu.memory_space<hbm>>) dst(%dma_wait3A_51 : memref<512x64xf32, #tpu.memory_space<vmem_shared>>)
    %barrier3A = arith.constant 0 : index
    tpu.barrier barrier_id(%barrier3A)
    %dma_wait3A_55 = arith.constant 0 : i32
    %dma_wait3A_56 = arith.constant 0 : i32
    %dma_wait3A_57 = tpu.memref_slice %arg4[%dma_wait3A_55, %dma_wait3A_56] : memref<1048576x64xf32, #tpu.memory_space<hbm>> -> memref<512x64xf32, #tpu.memory_space<hbm>>
    %dma_wait3A_58 = arith.constant 0 : i32
    %dma_wait3A_59 = arith.constant 0 : i32
    %dma_wait3A_60 = tpu.memref_slice %arg4[%dma_wait3A_58, %dma_wait3A_59] : memref<1048576x64xf32, #tpu.memory_space<hbm>> -> memref<512x64xf32, #tpu.memory_space<hbm>>
    tpu.wait_dma2 semaphore(%arg11 : memref<!tpu.dma_semaphore, #tpu.memory_space<semaphore_mem>>) src(%dma_wait3A_60 : memref<512x64xf32, #tpu.memory_space<hbm>>) dst(%arg6 : memref<512x64xf32, #tpu.memory_space<vmem>>)
    %dma_start3A_61 = arith.constant 0 : i32
    %dma_start3A_62 = tpu.memref_slice %arg4[%mul3A_2, %dma_start3A_61] : memref<1048576x64xf32, #tpu.memory_space<hbm>> -> memref<512x64xf32, #tpu.memory_space<hbm>>
    %dma_start3A_63 = arith.constant 0 : i32
    %dma_start3A_64 = tpu.memref_slice %arg4[%mul3A_2, %dma_start3A_63] : memref<1048576x64xf32, #tpu.memory_space<hbm>> -> memref<512x64xf32, #tpu.memory_space<hbm>>
    tpu.enqueue_dma source(%arg6 : memref<512x64xf32, #tpu.memory_space<vmem>>) target(%dma_start3A_64 : memref<512x64xf32, #tpu.memory_space<hbm>>) target_semaphore(%arg9 : memref<!tpu.dma_semaphore, #tpu.memory_space<semaphore_mem>>)
    %dma_wait3A_65 = arith.constant 0 : i32
    %dma_wait3A_66 = arith.constant 0 : i32
    %dma_wait3A_67 = tpu.memref_slice %arg4[%dma_wait3A_65, %dma_wait3A_66] : memref<1048576x64xf32, #tpu.memory_space<hbm>> -> memref<512x64xf32, #tpu.memory_space<hbm>>
    %dma_wait3A_68 = arith.constant 0 : i32
    %dma_wait3A_69 = arith.constant 0 : i32
    %dma_wait3A_70 = tpu.memref_slice %arg4[%dma_wait3A_68, %dma_wait3A_69] : memref<1048576x64xf32, #tpu.memory_space<hbm>> -> memref<512x64xf32, #tpu.memory_space<hbm>>
    tpu.wait_dma2 semaphore(%arg12 : memref<!tpu.dma_semaphore, #tpu.memory_space<semaphore_mem>>) src(%dma_wait3A_70 : memref<512x64xf32, #tpu.memory_space<hbm>>) dst(%arg7 : memref<512x64xf32, #tpu.memory_space<vmem>>)
    %add3A_71 = arith.constant 512 : i32
    %add3A_72 = arith.addi %mul3A_2, %add3A_71 : i32
    %dma_start3A_73 = arith.constant 0 : i32
    %dma_start3A_74 = tpu.memref_slice %arg4[%add3A_72, %dma_start3A_73] : memref<1048576x64xf32, #tpu.memory_space<hbm>> -> memref<512x64xf32, #tpu.memory_space<hbm>>
    %dma_start3A_75 = arith.constant 0 : i32
    %dma_start3A_76 = tpu.memref_slice %arg4[%add3A_72, %dma_start3A_75] : memref<1048576x64xf32, #tpu.memory_space<hbm>> -> memref<512x64xf32, #tpu.memory_space<hbm>>
    tpu.enqueue_dma source(%arg7 : memref<512x64xf32, #tpu.memory_space<vmem>>) target(%dma_start3A_76 : memref<512x64xf32, #tpu.memory_space<hbm>>) target_semaphore(%arg10 : memref<!tpu.dma_semaphore, #tpu.memory_space<semaphore_mem>>)
    %scan3A = arith.constant 0 : i32
    %scan3A_77 = arith.constant 1 : i32
    %scan3A_78 = arith.constant 31 : i32
    %scan3A_79 = arith.addi %scan3A_77, %scan3A_78 : i32
    %scan3A_80 = arith.constant 1 : i32
    scf.for %scan3A_94 = %scan3A_77 to %scan3A_79 step %scan3A_80  : i32 {
      %mul3A_95 = arith.constant 2 : i32
      %mul3A_96 = arith.muli %scan3A_94, %mul3A_95 : i32
      %add3A_97 = arith.constant 0 : i32
      %add3A_98 = arith.addi %mul3A_96, %add3A_97 : i32
      %mul3A_99 = arith.constant 512 : i32
      %mul3A_100 = arith.muli %add3A_98, %mul3A_99 : i32
      %dma_wait3A_101 = arith.constant 0 : i32
      %dma_wait3A_102 = arith.constant 0 : i32
      %dma_wait3A_103 = tpu.memref_slice %arg4[%dma_wait3A_101, %dma_wait3A_102] : memref<1048576x64xf32, #tpu.memory_space<hbm>> -> memref<512x64xf32, #tpu.memory_space<hbm>>
      %dma_wait3A_104 = arith.constant 0 : i32
      %dma_wait3A_105 = arith.constant 0 : i32
      %dma_wait3A_106 = tpu.memref_slice %arg4[%dma_wait3A_104, %dma_wait3A_105] : memref<1048576x64xf32, #tpu.memory_space<hbm>> -> memref<512x64xf32, #tpu.memory_space<hbm>>
      tpu.wait_dma2 semaphore(%arg9 : memref<!tpu.dma_semaphore, #tpu.memory_space<semaphore_mem>>) src(%dma_wait3A_106 : memref<512x64xf32, #tpu.memory_space<hbm>>) dst(%arg6 : memref<512x64xf32, #tpu.memory_space<vmem>>)
      %dma_start3A_107 = tpu.memref_slice %arg5[%mul3A_100] : memref<32768xi32, #tpu.memory_space<vmem>> -> memref<512xi32, #tpu.memory_space<vmem>>
      %dma_start3A_108 = arith.constant 0 : i32
      %dma_start3A_109 = arith.constant 0 : i32
      %dma_start3A_110 = tpu.memref_slice %arg14[%dma_start3A_108, %dma_start3A_109] : memref<8192x64xf32, #tpu.memory_space<vmem_shared>> -> memref<8192x64xf32, #tpu.memory_space<vmem_shared>>
      tpu.enqueue_indirect_dma source(%dma_start3A_110 : memref<8192x64xf32, #tpu.memory_space<vmem_shared>>) target(%arg6 : memref<512x64xf32, #tpu.memory_space<vmem>>) offsets(%dma_start3A_107 : memref<512xi32, #tpu.memory_space<vmem>>) semaphore(%arg8 : memref<!tpu.dma_semaphore, #tpu.memory_space<semaphore_mem>>)
      %dma_wait3A_111 = tpu.memref_slice %arg5[%mul3A_100] : memref<32768xi32, #tpu.memory_space<vmem>> -> memref<512xi32, #tpu.memory_space<vmem>>
      %dma_wait3A_112 = arith.constant 0 : i32
      %dma_wait3A_113 = arith.constant 0 : i32
      %dma_wait3A_114 = tpu.memref_slice %arg14[%dma_wait3A_112, %dma_wait3A_113] : memref<8192x64xf32, #tpu.memory_space<vmem_shared>> -> memref<8192x64xf32, #tpu.memory_space<vmem_shared>>
      tpu.wait_indirect_dma semaphore(%arg8 : memref<!tpu.dma_semaphore, #tpu.memory_space<semaphore_mem>>) src(%dma_wait3A_114 : memref<8192x64xf32, #tpu.memory_space<vmem_shared>>) dst(%arg6 : memref<512x64xf32, #tpu.memory_space<vmem>>)
      %add3A_115 = arith.addi %mul3A_2, %mul3A_100 : i32
      %dma_start3A_116 = arith.constant 0 : i32
      %dma_start3A_117 = tpu.memref_slice %arg4[%add3A_115, %dma_start3A_116] : memref<1048576x64xf32, #tpu.memory_space<hbm>> -> memref<512x64xf32, #tpu.memory_space<hbm>>
      %dma_start3A_118 = arith.constant 0 : i32
      %dma_start3A_119 = tpu.memref_slice %arg4[%add3A_115, %dma_start3A_118] : memref<1048576x64xf32, #tpu.memory_space<hbm>> -> memref<512x64xf32, #tpu.memory_space<hbm>>
      tpu.enqueue_dma source(%arg6 : memref<512x64xf32, #tpu.memory_space<vmem>>) target(%dma_start3A_119 : memref<512x64xf32, #tpu.memory_space<hbm>>) target_semaphore(%arg9 : memref<!tpu.dma_semaphore, #tpu.memory_space<semaphore_mem>>)
      %mul3A_120 = arith.constant 2 : i32
      %mul3A_121 = arith.muli %scan3A_94, %mul3A_120 : i32
      %add3A_122 = arith.constant 1 : i32
      %add3A_123 = arith.addi %mul3A_121, %add3A_122 : i32
      %mul3A_124 = arith.constant 512 : i32
      %mul3A_125 = arith.muli %add3A_123, %mul3A_124 : i32
      %dma_wait3A_126 = arith.constant 0 : i32
      %dma_wait3A_127 = arith.constant 0 : i32
      %dma_wait3A_128 = tpu.memref_slice %arg4[%dma_wait3A_126, %dma_wait3A_127] : memref<1048576x64xf32, #tpu.memory_space<hbm>> -> memref<512x64xf32, #tpu.memory_space<hbm>>
      %dma_wait3A_129 = arith.constant 0 : i32
      %dma_wait3A_130 = arith.constant 0 : i32
      %dma_wait3A_131 = tpu.memref_slice %arg4[%dma_wait3A_129, %dma_wait3A_130] : memref<1048576x64xf32, #tpu.memory_space<hbm>> -> memref<512x64xf32, #tpu.memory_space<hbm>>
      tpu.wait_dma2 semaphore(%arg10 : memref<!tpu.dma_semaphore, #tpu.memory_space<semaphore_mem>>) src(%dma_wait3A_131 : memref<512x64xf32, #tpu.memory_space<hbm>>) dst(%arg7 : memref<512x64xf32, #tpu.memory_space<vmem>>)
      %dma_start3A_132 = tpu.memref_slice %arg5[%mul3A_125] : memref<32768xi32, #tpu.memory_space<vmem>> -> memref<512xi32, #tpu.memory_space<vmem>>
      %dma_start3A_133 = arith.constant 0 : i32
      %dma_start3A_134 = arith.constant 0 : i32
      %dma_start3A_135 = tpu.memref_slice %arg14[%dma_start3A_133, %dma_start3A_134] : memref<8192x64xf32, #tpu.memory_space<vmem_shared>> -> memref<8192x64xf32, #tpu.memory_space<vmem_shared>>
      tpu.enqueue_indirect_dma source(%dma_start3A_135 : memref<8192x64xf32, #tpu.memory_space<vmem_shared>>) target(%arg7 : memref<512x64xf32, #tpu.memory_space<vmem>>) offsets(%dma_start3A_132 : memref<512xi32, #tpu.memory_space<vmem>>) semaphore(%arg8 : memref<!tpu.dma_semaphore, #tpu.memory_space<semaphore_mem>>)
      %dma_wait3A_136 = tpu.memref_slice %arg5[%mul3A_125] : memref<32768xi32, #tpu.memory_space<vmem>> -> memref<512xi32, #tpu.memory_space<vmem>>
      %dma_wait3A_137 = arith.constant 0 : i32
      %dma_wait3A_138 = arith.constant 0 : i32
      %dma_wait3A_139 = tpu.memref_slice %arg14[%dma_wait3A_137, %dma_wait3A_138] : memref<8192x64xf32, #tpu.memory_space<vmem_shared>> -> memref<8192x64xf32, #tpu.memory_space<vmem_shared>>
      tpu.wait_indirect_dma semaphore(%arg8 : memref<!tpu.dma_semaphore, #tpu.memory_space<semaphore_mem>>) src(%dma_wait3A_139 : memref<8192x64xf32, #tpu.memory_space<vmem_shared>>) dst(%arg7 : memref<512x64xf32, #tpu.memory_space<vmem>>)
      %add3A_140 = arith.addi %mul3A_2, %mul3A_125 : i32
      %dma_start3A_141 = arith.constant 0 : i32
      %dma_start3A_142 = tpu.memref_slice %arg4[%add3A_140, %dma_start3A_141] : memref<1048576x64xf32, #tpu.memory_space<hbm>> -> memref<512x64xf32, #tpu.memory_space<hbm>>
      %dma_start3A_143 = arith.constant 0 : i32
      %dma_start3A_144 = tpu.memref_slice %arg4[%add3A_140, %dma_start3A_143] : memref<1048576x64xf32, #tpu.memory_space<hbm>> -> memref<512x64xf32, #tpu.memory_space<hbm>>
      tpu.enqueue_dma source(%arg7 : memref<512x64xf32, #tpu.memory_space<vmem>>) target(%dma_start3A_144 : memref<512x64xf32, #tpu.memory_space<hbm>>) target_semaphore(%arg10 : memref<!tpu.dma_semaphore, #tpu.memory_space<semaphore_mem>>)
    }
    %scan3A_81 = arith.constant 31 : i32
    %dma_wait3A_82 = arith.constant 0 : i32
    %dma_wait3A_83 = arith.constant 0 : i32
    %dma_wait3A_84 = tpu.memref_slice %arg4[%dma_wait3A_82, %dma_wait3A_83] : memref<1048576x64xf32, #tpu.memory_space<hbm>> -> memref<512x64xf32, #tpu.memory_space<hbm>>
    %dma_wait3A_85 = arith.constant 0 : i32
    %dma_wait3A_86 = arith.constant 0 : i32
    %dma_wait3A_87 = tpu.memref_slice %arg4[%dma_wait3A_85, %dma_wait3A_86] : memref<1048576x64xf32, #tpu.memory_space<hbm>> -> memref<512x64xf32, #tpu.memory_space<hbm>>
    tpu.wait_dma2 semaphore(%arg9 : memref<!tpu.dma_semaphore, #tpu.memory_space<semaphore_mem>>) src(%dma_wait3A_87 : memref<512x64xf32, #tpu.memory_space<hbm>>) dst(%arg6 : memref<512x64xf32, #tpu.memory_space<vmem>>)
    %dma_wait3A_88 = arith.constant 0 : i32
    %dma_wait3A_89 = arith.constant 0 : i32
    %dma_wait3A_90 = tpu.memref_slice %arg4[%dma_wait3A_88, %dma_wait3A_89] : memref<1048576x64xf32, #tpu.memory_space<hbm>> -> memref<512x64xf32, #tpu.memory_space<hbm>>
    %dma_wait3A_91 = arith.constant 0 : i32
    %dma_wait3A_92 = arith.constant 0 : i32
    %dma_wait3A_93 = tpu.memref_slice %arg4[%dma_wait3A_91, %dma_wait3A_92] : memref<1048576x64xf32, #tpu.memory_space<hbm>> -> memref<512x64xf32, #tpu.memory_space<hbm>>
    tpu.wait_dma2 semaphore(%arg10 : memref<!tpu.dma_semaphore, #tpu.memory_space<semaphore_mem>>) src(%dma_wait3A_93 : memref<512x64xf32, #tpu.memory_space<hbm>>) dst(%arg7 : memref<512x64xf32, #tpu.memory_space<vmem>>)
    return
  }
}

</mosaic_0001>

<sc_bundles>
// kernel: kernel.3.cloned.1.call-start
scs
__scs_entry_jumppad:
0x0: {  	(pc) =	sbr.rel $0x88, $3  }
0x1: {  	(tag) =	ssettag $0x0;
	lr =	simm.s32 $0x1  }
0x2: {  	[smem:$0x3F9F] =	sst lr;
	_ =	strace $0xD0000000  }
0x3: {  	_ = 	snop  }
0x4: {  	_ = 	snop  }
0x5: {  	_ = 	snop  }
0x6: {  	_ = 	snop  }
0x7: {  	_ = 	snop  }
__scs_overlays_trampoline_lowered:
0x8: {  	[smem:$0x3FAE] =	sst s0  }
0x9: {  	[smem:$0x3FAF] =	sst s1  }
0xa: {  	[smem:$0x3FB0] =	sst s2  }
0xb: {  	[smem:$0x3FB1] =	sst s3  }
0xc: {  	[smem:$0x3FB2] =	sst s4  }
0xd: {  	[smem:$0x3FB3] =	sst s5  }
0xe: {  	[smem:$0x3FB4] =	sst s6  }
0xf: {  	[smem:$0x3FB5] =	sst s7  }
0x10: {  	[smem:$0x3FB6] =	sst s8  }
0x11: {  	[smem:$0x3FB7] =	sst s9;
	s0 =	simm.s32 @!p0 $0x0  }
0x12: {  	s1 =	sld [smem:$0x3F9D];
	s0 =	simm.s32 @p0 $0x1  }
0x13: {  	[smem:$0x3FB8] =	sst s0;
	s0 =	simm.s32 @!p1 $0x0  }
0x14: {  	s2 =	sld [smem:$0x3F9C];
	s0 =	simm.s32 @p1 $0x1  }
0x15: {  	[smem:$0x3FB9] =	sst s0;
	s0 =	simm.s32 @!p2 $0x0  }
0x16: {  	s3 =	sld [smem:$0x3FDB];
	s0 =	simm.s32 @p2 $0x1  }
0x17: {  	s4 =	simm.s32 $0x1BF5;
	[smem:$0x3FBB] =	sst s0  }
0x18: {  	s0 =	sld [smem:$0x3F9E];
	_ =	swait.ge [sflag:s4], $0x0  }
0x19: {  	s7 =	sld [smem:$0x3F9F]  }
0x1a: {  	s8 =	sadd.s32 $0xFFFFE003, lr  }
0x1b: {  	s9 =	sadd.s32 $0xFFFFFEF7, lr;
	s5 =	simm.s32 $0xFFFFFFFF;
	p2 =	slt.u32 s8, $0xFFFFF086  }
0x1c: {  	p1 =	slt.u32 s9, $0xF7A;
	s5 =	simm.s32 @!p2 $0x0  }
0x1d: {  	s5 =	simm.s32 @p1 $0x1;
	p0 =	seq.s32 s7, s2  }
0x1e: {  	s7 =	smul.u32 @!p0 $0xF7A, s2;
	p2 =	seq.s32 @!p0 s5, $0x0  }
0x1f: {  	s9 =	smul.u32 $0xF7A, s1;
	s8 =	simm.s32 @!p0 $0x1BF5;
	p2 =	por !p2, p0  }
0x20: {  	[sflag:s8] =	ssyncset.s32 @!p0 $0xFFFFF086;
	s6 =	sadd.s32 @!p0 s3, s7;
	s7 =	simm.s32 @!p0 $0x108  }
0x21: {  	s3 =	sadd.s32 s3, s9;
	s6 =	sadd.s32 @!p0 $0x88, s6;
	s7 =	simm.s32 @p2 $0x1082  }
0x22: {  	[simem:s7], [sflag:s8] =	dma.local @!p0 [hbm:s6], $0xF7A  }
0x23: {  	s9 =	sor.u32 $0xD0000000, s2;
	s6 =	simm.s32 $0x108;
	_ =	swait.ge @!p0 [sflag:s8], $0x0  }
0x24: {  	s3 =	sadd.s32 $0x88, s3;
	s6 =	simm.s32 @!p1 $0x1082;
	[sflag:s4] =	ssyncset.s32 $0xFFFFF086  }
0x25: {  	[simem:s6], [sflag:s4] =	dma.local [hbm:s3], $0xF7A  }
0x26: {  	[smem:$0x3F9F] =	sst s1;
	(tag) =	ssettag s2;
	_ =	strace s9  }
0x27: {  	s1 =	sld [smem:$0x3FAF]  }
0x28: {  	s2 =	sld [smem:$0x3FB0]  }
0x29: {  	s4 =	sld [smem:$0x3FB2]  }
0x2a: {  	p0 =	seq.s32 s5, $0x0;
	s5 =	sld [smem:$0x3FB3]  }
0x2b: {  	s6 =	sld [smem:$0x3FB4]  }
0x2c: {  	s7 =	sld [smem:$0x3FB5]  }
0x2d: {  	s3 =	simm.s32 $0x108;
	s8 =	sld [smem:$0x3FB6]  }
0x2e: {  	s3 =	simm.s32 @!p0 $0x1082;
	s9 =	sld [smem:$0x3FB7]  }
0x2f: {  	lr =	sadd.s32 s0, s3;
	s0 =	sld [smem:$0x3FAE]  }
0x30: {  	s3 =	sld [smem:$0x3FB1]  }
0x31: {  	[smem:$0x3FBA] =	sst s10  }
0x32: {  	s10 =	sld [smem:$0x3FB8];
	_ =	sdelay $0x3  }
0x33: {  	p0 =	seq.s32 s10, $0x1;
	s10 =	sld [smem:$0x3FBA];
	_ =	sdelay $0x3  }
0x34: {  	[smem:$0x3FBA] =	sst s10  }
0x35: {  	s10 =	sld [smem:$0x3FB9];
	_ =	sdelay $0x3  }
0x36: {  	p1 =	seq.s32 s10, $0x1;
	s10 =	sld [smem:$0x3FBA];
	_ =	sdelay $0x3  }
0x37: {  	[smem:$0x3FBA] =	sst s10  }
0x38: {  	s10 =	sld [smem:$0x3FBB]  }
0x39: {  	_ = 	snop;
	(pc) =	sbr.ind lr, $3  }
0x3a: {  	_ = 	snop  }
0x3b: {  	_ = 	snop  }
0x3c: {  	p2 =	seq.s32 s10, $0x1;
	s10 =	sld [smem:$0x3FBA]  }
0x3d: {  	_ =	shalt  }
0x3e: {  	_ =	shalt  }
0x3f: {  	_ =	shalt  }
0x40: {  	_ =	shalt  }
0x41: {  	_ =	shalt  }
0x42: {  	_ =	shalt  }
0x43: {  	_ =	shalt  }
0x44: {  	_ =	shalt  }
0x45: {  	_ =	shalt  }
0x46: {  	_ =	shalt  }
0x47: {  	_ =	shalt  }
0x48: {  	_ =	shalt  }
0x49: {  	_ =	shalt  }
0x4a: {  	_ =	shalt  }
0x4b: {  	_ =	shalt  }
0x4c: {  	_ =	shalt  }
0x4d: {  	_ =	shalt  }
0x4e: {  	_ =	shalt  }
0x4f: {  	_ =	shalt  }
0x50: {  	_ =	shalt  }
0x51: {  	_ =	shalt  }
0x52: {  	_ =	shalt  }
0x53: {  	_ =	shalt  }
0x54: {  	_ =	shalt  }
0x55: {  	_ =	shalt  }
0x56: {  	_ =	shalt  }
0x57: {  	_ =	shalt  }
0x58: {  	_ =	shalt  }
0x59: {  	_ =	shalt  }
0x5a: {  	_ =	shalt  }
0x5b: {  	_ =	shalt  }
0x5c: {  	_ =	shalt  }
0x5d: {  	_ =	shalt  }
0x5e: {  	_ =	shalt  }
0x5f: {  	_ =	shalt  }
0x60: {  	_ =	shalt  }
0x61: {  	_ =	shalt  }
0x62: {  	_ =	shalt  }
0x63: {  	_ =	shalt  }
0x64: {  	_ =	shalt  }
0x65: {  	_ =	shalt  }
0x66: {  	_ =	shalt  }
0x67: {  	_ =	shalt  }
0x68: {  	_ =	shalt  }
0x69: {  	_ =	shalt  }
0x6a: {  	_ =	shalt  }
0x6b: {  	_ =	shalt  }
0x6c: {  	_ =	shalt  }
0x6d: {  	_ =	shalt  }
0x6e: {  	_ =	shalt  }
0x6f: {  	_ =	shalt  }
0x70: {  	_ =	shalt  }
0x71: {  	_ =	shalt  }
0x72: {  	_ =	shalt  }
0x73: {  	_ =	shalt  }
0x74: {  	_ =	shalt  }
0x75: {  	_ =	shalt  }
0x76: {  	_ =	shalt  }
0x77: {  	_ =	shalt  }
0x78: {  	_ =	shalt  }
0x79: {  	_ =	shalt  }
0x7a: {  	_ =	shalt  }
0x7b: {  	_ =	shalt  }
0x7c: {  	_ =	shalt  }
0x7d: {  	_ =	shalt  }
0x7e: {  	_ =	shalt  }
0x7f: {  	_ =	shalt  }
0x80: {  	_ =	shalt  }
0x81: {  	_ =	shalt  }
0x82: {  	_ =	shalt  }
0x83: {  	_ =	shalt  }
0x84: {  	_ =	shalt  }
0x85: {  	_ =	shalt  }
0x86: {  	_ =	shalt  }
0x87: {  	_ =	shalt  }
.Lfunc_end0:
.L_simem_size_0:
called_computation.1_lowered:
.L_overlay_start_0:
0x88: {  	s2 =	sld [smem:$0x3FD9]  }
0x89: {  	s3 =	sld [smem:$0x3FFE];
	_ =	sdelay $0x1  }
0x8a: {  	s1 =	srdreg.scid  }
0x8b: {  	s0 =	sand.u32 $0x1, s1  }
0x8c: {  	s17 =	sshll.u32 s0, $0xA;
	s2 =	sadd.s32 s3, s2  }
0x8d: {  	s2 =	sadd.s32 s2, s17  }
0x8e: {  	[smem:$0x3FC6] =	sst s2  }
0x8f: {  	_ = 	snop  }
0x90: {  	s2 =	sld [smem:$0x3FC9]  }
0x91: {  	s18 =	sld [smem:$0x3FD0];
	(tm) =	ssettm $0x1  }
0x92: {  	s4 =	sld [smem:$0x3FFB];
	_ =	sdelay $0x3  }
0x93: {  	_ =	strace s4  }
0x94: {  	s4 =	sld [smem:$0x3FFC];
	_ =	sdelay $0x3  }
0x95: {  	_ =	strace s4  }
0x96: {  	s4 =	sld [smem:$0x3FFD];
	_ =	sdelay $0x3  }
0x97: {  	_ =	strace s4  }
0x98: {  	_ =	strace $0x8FFFFFFF  }
0x99: {  	s19 =	sld [smem:$0x3FDB];
	_ =	sdelay $0x1  }
0x9a: {  	s5 =	simm.s32 $_scs_section_size  }
0x9b: {  	s6 =	simm.s32 $_size__tile_overlayer_lowered;
	s7 =	simm.s32 $_tile_overlayer_lowered  }
0x9c: {  	s22 =	simm.s32 $0x1BFF;
	s21 =	sshll.u32 s7, $0x1;
	s4 =	sadd.s32 s5, s19  }
0x9d: {  	s8 =	simm.s32 $0x0;
	s20 =	sshll.u32 s6, $0x1;
	s6 =	sadd.s32 s21, s4  }
0x9e: {  	[timem:s8], [sflag:s22] =	dma.local [hbm:s6], s20  }
0x9f: {  	_ =	swait.ge [sflag:s22], s20  }
0xa0: {  	s5 =	ssub.s32 $0x0, s20;
	[sflag:s22] =	ssyncset.done $0x0  }
0xa1: {  	[sflag:s22] =	ssyncadd.s32 s5;
	_ =	sdelay $0x1  }
0xa2: {  	s23 =	simm.s32 $0x1B8B  }
0xa3: {  	_ =	swait.ge [sflag:s23], $0x1  }
0xa4: {  	[sflag:s23] =	ssyncset.done $0x0  }
0xa5: {  	s25 =	simm.s32 $0x1B8E;
	s24 =	sld [smem:$0x3FFE];
	[sflag:s23] =	ssyncadd.s32 $0xFFFFFFFF  }
0xa6: {  	s26 =	simm.s32 $execute0_lowered;
	[smem:$0x3FD2] =	sst s25  }
0xa7: {  	s6 =	sshll.u32 s26, $0x1;
	_ =	strace $0x80000046;
	[dreg:$0x1] =	wrdreg $0xFFFFFFFF  }
0xa8: {  	s28 =	simm.s32 $_size_execute0_lowered;
	s4 =	sadd.s32 s4, s6;
	[dreg:$0x0] =	wrdreg $0x0  }
0xa9: {  	s6 =	sshll.u32 s28, $0x1;
	[dreg:$0x2] =	wrdreg s4  }
0xaa: {  	[dreg:$0x3] =	wrdreg s6  }
0xab: {  	[dreg:$0x4] =	wrdreg $0xC0  }
0xac: {  	_ =	task [dreg:s8], $0x5FFFF  }
0xad: {  	[dreg:$0x1] =	wrdreg $0xFFFFFFFF  }
0xae: {  	[dreg:$0x0] =	wrdreg $0x60  }
0xaf: {  	[dreg:$0x2] =	wrdreg s2  }
0xb0: {  	[dreg:$0x3] =	wrdreg s24  }
0xb1: {  	[dreg:$0x4] =	wrdreg s18  }
0xb2: {  	[dreg:$0x5] =	wrdreg $0x180000  }
0xb3: {  	[dreg:$0x6] =	wrdreg $0x9  }
0xb4: {  	_ =	task.clear_ibuf [dreg:s8], $0x7FFFF;
	_ =	strace $0x90000046  }
0xb5: {  	s29 =	simm.s32 $0x9;
	_ =	strace $0x80000048  }
0xb6: {  	_ =	swait.ge [sflag:s29], $0x1  }
0xb7: {  	[sflag:s29] =	ssyncadd.s32 $0xFFFFFFFF  }
0xb8: {  	_ =	strace $0x90000048  }
0xb9: {  	_ =	sfence  }
0xba: {  	s30 =	sld [smem:$0x0];
	_ =	sdelay $0x2  }
0xbb: {  	s31 =	sshll.u32 s1, $0xD;
	s1 =	sshrl.u32 s1, $0x2  }
0xbc: {  	s3 =	sand.u32 $0x4000, s31;
	s1 =	sadd.s32 s1, s30  }
0xbd: {  	s0 =	sor.u32 s3, s0;
	s1 =	sshll.u32 s1, $0x11  }
0xbe: {  	s0 =	sor.u32 s1, s0  }
0xbf: {  	s0 =	sadd.s32 $0x8F2B, s0  }
0xc0: {  	[sflag:s0] =	ssyncadd.remote.s32 $0x1  }
0xc1: {  	_ =	sfence.sel $0xFFFF  }
0xc2: {  	[dreg:$0x0] =	wrdreg $0xFFFFFFFF;
	(pc) =	sbr.abs _section_cstart, $3  }
0xc3: {  	[dreg:$0x1] =	wrdreg $0xFFFFFFFF  }
0xc4: {  	_ =	task.clear_ibuf [dreg:s8], $0x2FFFF;
	_ =	strace $0x9FFFFFFF  }
0xc5: {  	(tm) =	ssettm $0x7FFFFFFF  }
tec
execute0_lowered:
.L_overlay_start_1:
0x0: {  	(tag) =	ssettag $0x1  }
0x1: {  	s5 =	rddreg [dreg:$0x0]  }
0x2: {  	s4 =	rddreg [dreg:$0x1]  }
0x3: {  	s10 =	rddreg [dreg:$0x2]  }
0x4: {  	s2 =	rddreg [dreg:$0x3];
	s3 =	srdreg.scid  }
0x5: {  	s0 =	rddreg [dreg:$0x4];
	s1 =	stileid.u32;
	s16 =	simm.s32 $0x200  }
0x6: {  	s17 =	simm.s32 $0x8000;
	s18 =	simm.s32 $0x10000;
	s19 =	simm.s32 $0x6  }
0x7: {  	s20 =	simm.s32 $0x4;
	s21 =	simm.s32 $0x5;
	s22 =	simm.s32 $0x2  }
0x8: {  	s23 =	simm.s32 $0x3;
	s24 =	simm.s32 $0x0;
	s11 =	sand.u32 $0x1, s3  }
0x9: {  	s3 =	simm.s32 $0x0;
	s6 =	sshll.u32 s1, $0x10;
	s4 =	sadd.s32 $0x800, s4  }
0xa: {  	s29 =	sshll.u32 s1, $0xF;
	s30 =	sshll.u32 s1, $0xC;
	s31 =	sshll.u32 s1, $0x6  }
0xb: {  	s14 =	sshll.u32 s1, $0x13;
	s7 =	sshll.u32 s11, $0xF;
	[smem:$0x7FF] =	sst s3  }
0xc: {  	s8 =	ssub.s32 $0x2, s11;
	s13 =	sadd.s32 s29, s2;
	s14 =	sadd.s32 s14, s10  }
0xd: {  	s15 =	sshll.u32 s11, $0x12;
	s9 =	sor.u32 s7, s6;
	_ =	strace $0x80000047  }
0xe: {  	s28 =	sshrl.u32 s8, $0x1;
	s6 =	sadd.s32 s4, s30;
	s13 =	sshrl.u32 s13, $0x3  }
0xf: {  	s7 =	sshrl.u32 s9, $0x3;
	s12 =	ssub.s32 s8, s28;
	s9 =	sshll.u32 s9, $0x3  }
0x10: {  	s5 =	sadd.s32 s5, s7;
	s7 =	sor.u32 $0x1C06, s31;
	s9 =	sadd.s32 s10, s9  }
0x11: {  	s11 =	smax.u32 s12, $0x1;
	s12 =	sadd.s32 s15, s14;
	s14 =	simm.s32 $0x400  }
0x12: {  	s15 =	simm.s32 $0x1;
	s8 =	sadd.s32 $0x80, s5;
	s10 =	sadd.s32 $0x1000, s9  }
.LBB2_1:
0x13: {  	[tilespmem:s3], [sflag:$0x1] =	stream.linear.gather [hbm4b:s5+s3], $0x400, $0x38;
	v63 =	vld [tilespmem:$0x0]  }
0x14: {  	[spmem:s13], [sflag:s7] =	dma.local [hbm:s6], $0x1000  }
0x15: {  	[tilespmem:s14], [sflag:$0x1] =	stream.linear.gather [hbm4b:s8+s3], $0x7C00, $0x38;
	v63 =	vld [tilespmem:$0x0]  }
0x16: {  	_ =	swait.ge [sflag:s15], $0x400  }
0x17: {  	[sflag:s15] =	ssyncset.done $0x0  }
0x18: {  	[sflag:s15] =	ssyncadd.s32 $0xFFFFFC00  }
0x19: {  	[tilespmem:s17], [sflag:$0x4] =	stream.indirect.gather [hbm4b:s4+s16], $0x40, s3, s16, $0xb8;
	v63 =	vld [tilespmem:$0x0]  }
0x1a: {  	_ = 	snop  }
0x1b: {  	[tilespmem:s18], [sflag:$0x5] =	stream.indirect.gather [hbm4b:s4+s16], $0x40, s16, s16, $0xb8;
	v63 =	vld [tilespmem:$0x0]  }
0x1c: {  	_ =	swait.ge [sflag:s15], $0x7C00  }
0x1d: {  	[sflag:s15] =	ssyncset.done $0x0  }
0x1e: {  	[sflag:s15] =	ssyncadd.s32 $0xFFFF8400  }
0x1f: {  	_ =	swait.ge [sflag:s19], $0x1000  }
0x20: {  	[sflag:s19] =	ssyncset.done $0x0  }
0x21: {  	[sflag:s19] =	ssyncadd.s32 $0xFFFFF000  }
0x22: {  	[bflag:$0x0] =	sbarrier.arrive $0xFFFF  }
0x23: {  	_ =	swait.ge [sflag:s20], $0x8000  }
0x24: {  	[sflag:s20] =	ssyncset.done $0x0  }
0x25: {  	[sflag:s20] =	ssyncadd.s32 $0xFFFF8000  }
0x26: {  	[hbm4b:s9+s3] =	stream.linear.scatter [tilespmem:s17], [sflag:$0x2], $0x8000, $0x38;
	v63 =	vld [tilespmem:$0x0]  }
0x27: {  	_ =	swait.ge [sflag:s21], $0x8000  }
0x28: {  	[sflag:s21] =	ssyncset.done $0x0  }
0x29: {  	[sflag:s21] =	ssyncadd.s32 $0xFFFF8000  }
0x2a: {  	[hbm4b:s10+s3] =	stream.linear.scatter [tilespmem:s18], [sflag:$0x3], $0x8000, $0x38;
	v63 =	vld [tilespmem:$0x0]  }
0x2b: {  	_ =	swait.ge [sflag:s22], $0x8000  }
0x2c: {  	[sflag:s22] =	ssyncset.done $0x0  }
0x2d: {  	s25 =	simm.s32 $0x400;
	[sflag:s22] =	ssyncadd.s32 $0xFFFF8000  }
0x2e: {  	[tilespmem:s17], [sflag:$0x1] =	stream.indirect.gather [spmem:s2], $0x40, s25, s16, $0xb8;
	v63 =	vld [tilespmem:$0x0]  }
0x2f: {  	_ =	swait.ge [sflag:s15], $0x8000  }
0x30: {  	s26 =	sadd.s32 $0x0, s12;
	[sflag:s15] =	ssyncset.done $0x0  }
0x31: {  	s30 =	sadd.s32 $0x2000, s26;
	[sflag:s15] =	ssyncadd.s32 $0xFFFF8000  }
0x32: {  	[hbm4b:s30+s3] =	stream.linear.scatter [tilespmem:s17], [sflag:$0x2], $0x8000, $0x38;
	v63 =	vld [tilespmem:$0x0]  }
0x33: {  	_ =	swait.ge [sflag:s23], $0x8000  }
0x34: {  	[sflag:s23] =	ssyncset.done $0x0  }
0x35: {  	s31 =	simm.s32 $0x600;
	[sflag:s23] =	ssyncadd.s32 $0xFFFF8000  }
0x36: {  	[tilespmem:s18], [sflag:$0x1] =	stream.indirect.gather [spmem:s2], $0x40, s31, s16, $0xb8;
	v63 =	vld [tilespmem:$0x0]  }
0x37: {  	_ =	swait.ge [sflag:s15], $0x8000  }
0x38: {  	s28 =	sadd.s32 $0x3000, s26;
	[sflag:s15] =	ssyncset.done $0x0  }
0x39: {  	s26 =	simm.s32 $0xA00;
	s25 =	simm.s32 $0x2000;
	[sflag:s15] =	ssyncadd.s32 $0xFFFF8000  }
.LBB2_2:
0x3a: {  	[hbm4b:s28+s3] =	stream.linear.scatter [tilespmem:s18], [sflag:$0x3], $0x8000, $0x38;
	v63 =	vld [tilespmem:$0x0]  }
0x3b: {  	s28 =	smov.u32 s25  }
0x3c: {  	p0 =	sne.s32 s25, $0x3C000;
	s25 =	sadd.s32 $0x2000, s25;
	_ =	swait.ge [sflag:s22], $0x8000  }
0x3d: {  	[sflag:s22] =	ssyncset.done $0x0  }
0x3e: {  	s29 =	sadd.s32 $0xFFFFFE00, s26;
	[sflag:s22] =	ssyncadd.s32 $0xFFFF8000  }
0x3f: {  	[tilespmem:s17], [sflag:$0x1] =	stream.indirect.gather [spmem:s2], $0x40, s29, s16, $0xb8;
	v63 =	vld [tilespmem:$0x0]  }
0x40: {  	_ =	swait.ge [sflag:s15], $0x8000  }
0x41: {  	s28 =	sadd.s32 s28, s12;
	[sflag:s15] =	ssyncset.done $0x0  }
0x42: {  	s29 =	sadd.s32 $0x2000, s28;
	[sflag:s15] =	ssyncadd.s32 $0xFFFF8000  }
0x43: {  	[hbm4b:s29+s3] =	stream.linear.scatter [tilespmem:s17], [sflag:$0x2], $0x8000, $0x38;
	v63 =	vld [tilespmem:$0x0]  }
0x44: {  	_ =	swait.ge [sflag:s23], $0x8000  }
0x45: {  	[sflag:s23] =	ssyncset.done $0x0  }
.Ltmp0:
0x46: {  	[sflag:s23] =	ssyncadd.s32 $0xFFFF8000;
	(pc) =	sbr.rel @p0 .LBB2_2-.Ltmp0, $4  }
0x47: {  	[tilespmem:s18], [sflag:$0x1] =	stream.indirect.gather [spmem:s2], $0x40, s26, s16, $0xb8;
	v63 =	vld [tilespmem:$0x0]  }
0x48: {  	_ =	swait.ge [sflag:s15], $0x8000  }
0x49: {  	[sflag:s15] =	ssyncset.done $0x0  }
0x4a: {  	s28 =	sadd.s32 $0x3000, s28;
	s26 =	sadd.s32 $0x400, s26;
	[sflag:s15] =	ssyncadd.s32 $0xFFFF8000  }
0x4b: {  	[hbm4b:s28+s3] =	stream.linear.scatter [tilespmem:s18], [sflag:$0x3], $0x8000, $0x38;
	v63 =	vld [tilespmem:$0x0]  }
0x4c: {  	s24 =	sadd.s32 $0x1, s24  }
0x4d: {  	_ =	swait.ge [sflag:s22], $0x8000;
	p0 =	sne.s32 s24, s11  }
.Ltmp1:
0x4e: {  	[sflag:s22] =	ssyncset.done $0x0;
	(pc) =	sbr.rel @p0 .LBB2_1-.Ltmp1, $4  }
0x4f: {  	[sflag:s22] =	ssyncadd.s32 $0xFFFF8000  }
0x50: {  	_ =	swait.ge [sflag:s23], $0x8000  }
0x51: {  	[sflag:s23] =	ssyncset.done $0x0  }
0x52: {  	[sflag:s23] =	ssyncadd.s32 $0xFFFF8000  }
0x53: {  	_ =	sfence.sel $0x180000  }
0x54: {  	[bflag:$0x0] =	sbarrier.arrive $0xFFFF  }
0x55: {  	p0 =	sne.s32 s1, $0x0;
	_ =	strace $0x90000047  }
0x56: {  	s0 =	sadd.s32 @!p0 $0x100000, s0;
	[bflag:$0x2] =	sbarrier.arrive $0xFFFF  }
0x57: {  	[sflag:s0] =	ssyncadd.tile.s32 @!p0 $0x1;
	_ =	shalt  }
.Lfunc_end2:
_tile_overlayer_lowered:
.L_overlay_start_2:
0x58: {  	(tag) =	ssettag $0x2  }
0x59: {  	s0 =	rddreg [dreg:$0x0];
	s2 =	stileid.u32  }
0x5a: {  	s1 =	rddreg [dreg:$0x1];
	p0 =	sne.s32 s2, $0x0  }
0x5b: {  	s3 =	rddreg [dreg:$0x2];
	[bflag:$0x3] =	sbarrier.arrive $0xFFFF;
	s2 =	simm.s32 @!p0 $0x1C07  }
0x5c: {  	[timem:s3], [sflag:s2] =	dma.local @!p0 [hbm:s0], s1  }
0x5d: {  	s0 =	simm.s32 @!p0 $0x7  }
0x5e: {  	_ =	swait.ge @!p0 [sflag:s0], s1  }
0x5f: {  	s1 =	ssub.s32 @!p0 $0x0, s1;
	[sflag:s0] =	ssyncset.done @!p0 $0x0  }
0x60: {  	[sflag:s0] =	ssyncadd.s32 @!p0 s1  }
0x61: {  	[bflag:$0x3] =	sbarrier.arrive $0xFFFF  }
0x62: {  	_ =	shalt  }

// kernel: sparse-core-data-format-call.cloned.1.call-start
scs
called_computation_lowered:
.L_overlay_start_0:
0x0: {  	s2 =	sld [smem:$0x3FD9]  }
0x1: {  	s3 =	sld [smem:$0x3FFE];
	_ =	sdelay $0x1  }
0x2: {  	s1 =	srdreg.scid  }
0x3: {  	s0 =	sand.u32 $0x1, s1  }
0x4: {  	s18 =	sshll.u32 s0, $0xA;
	s2 =	sadd.s32 s3, s2  }
0x5: {  	s2 =	sadd.s32 s2, s18  }
0x6: {  	[smem:$0x3FC6] =	sst s2  }
0x7: {  	_ = 	snop  }
0x8: {  	s2 =	sld [smem:$0x3FD0];
	(tm) =	ssettm $0x1  }
0x9: {  	s19 =	sld [smem:$0x3FFB];
	_ =	sdelay $0x3  }
0xa: {  	_ =	strace s19  }
0xb: {  	s3 =	sld [smem:$0x3FFC];
	_ =	sdelay $0x3  }
0xc: {  	_ =	strace s3  }
0xd: {  	s3 =	sld [smem:$0x3FFD];
	_ =	sdelay $0x3  }
0xe: {  	_ =	strace s3  }
0xf: {  	_ =	strace $0x8FFFFFFF  }
0x10: {  	s20 =	sld [smem:$0x3FDB];
	_ =	sdelay $0x1  }
0x11: {  	s4 =	simm.s32 $_scs_section_size  }
0x12: {  	s5 =	simm.s32 $_size__tile_overlayer_lowered;
	s6 =	simm.s32 $_tile_overlayer_lowered  }
0x13: {  	s23 =	simm.s32 $0x1BFF;
	s22 =	sshll.u32 s6, $0x1;
	s3 =	sadd.s32 s4, s20  }
0x14: {  	s7 =	simm.s32 $0x0;
	s21 =	sshll.u32 s5, $0x1;
	s5 =	sadd.s32 s22, s3  }
0x15: {  	[timem:s7], [sflag:s23] =	dma.local [hbm:s5], s21  }
0x16: {  	_ =	swait.ge [sflag:s23], s21  }
0x17: {  	s4 =	ssub.s32 $0x0, s21;
	[sflag:s23] =	ssyncset.done $0x0  }
0x18: {  	[sflag:s23] =	ssyncadd.s32 s4;
	_ =	sdelay $0x1  }
0x19: {  	s24 =	simm.s32 $0x1B8B  }
0x1a: {  	_ =	swait.ge [sflag:s24], $0x1  }
0x1b: {  	[sflag:s24] =	ssyncset.done $0x0  }
0x1c: {  	s26 =	simm.s32 $0x1B8E;
	s25 =	sld [smem:$0x3FFE];
	[sflag:s24] =	ssyncadd.s32 $0xFFFFFFFF  }
0x1d: {  	s27 =	simm.s32 $execute0_lowered;
	[smem:$0x3FD2] =	sst s26  }
0x1e: {  	s5 =	sshll.u32 s27, $0x1;
	_ =	strace $0x80000049;
	[dreg:$0x1] =	wrdreg $0xFFFFFFFF  }
0x1f: {  	s28 =	simm.s32 $_size_execute0_lowered;
	s3 =	sadd.s32 s3, s5;
	[dreg:$0x0] =	wrdreg $0x0  }
0x20: {  	s5 =	sshll.u32 s28, $0x1;
	[dreg:$0x2] =	wrdreg s3  }
0x21: {  	[dreg:$0x3] =	wrdreg s5  }
0x22: {  	[dreg:$0x4] =	wrdreg $0xC0  }
0x23: {  	_ =	task [dreg:s7], $0x5FFFF  }
0x24: {  	[dreg:$0x1] =	wrdreg $0xFFFFFFFF  }
0x25: {  	[dreg:$0x0] =	wrdreg $0x60  }
0x26: {  	[dreg:$0x2] =	wrdreg s25  }
0x27: {  	[dreg:$0x3] =	wrdreg s2  }
0x28: {  	[dreg:$0x4] =	wrdreg $0x9  }
0x29: {  	_ =	task.clear_ibuf [dreg:s7], $0x5FFFF;
	_ =	strace $0x90000049  }
0x2a: {  	s29 =	simm.s32 $0x9;
	_ =	strace $0x8000004B  }
0x2b: {  	_ =	swait.ge [sflag:s29], $0x1  }
0x2c: {  	[sflag:s29] =	ssyncadd.s32 $0xFFFFFFFF  }
0x2d: {  	_ =	strace $0x9000004B  }
0x2e: {  	_ =	sfence  }
0x2f: {  	s30 =	sld [smem:$0x0];
	_ =	sdelay $0x2  }
0x30: {  	s31 =	sshll.u32 s1, $0xD;
	s1 =	sshrl.u32 s1, $0x2  }
0x31: {  	s3 =	sand.u32 $0x4000, s31;
	s1 =	sadd.s32 s1, s30  }
0x32: {  	s0 =	sor.u32 s3, s0;
	s1 =	sshll.u32 s1, $0x11  }
0x33: {  	s0 =	sor.u32 s1, s0  }
0x34: {  	s0 =	sadd.s32 $0x8F2B, s0  }
0x35: {  	[sflag:s0] =	ssyncadd.remote.s32 $0x1  }
0x36: {  	_ =	sfence.sel $0xFFFF  }
0x37: {  	[dreg:$0x0] =	wrdreg $0xFFFFFFFF;
	(pc) =	sbr.abs _section_cstart, $3  }
0x38: {  	[dreg:$0x1] =	wrdreg $0xFFFFFFFF  }
0x39: {  	_ =	task.clear_ibuf [dreg:s7], $0x2FFFF;
	_ =	strace $0x9FFFFFFF  }
0x3a: {  	(tm) =	ssettm $0x7FFFFFFF  }
0x3b: {  	_ =	shalt  }
tec
execute0_lowered:
.L_overlay_start_1:
0x0: {  	(tag) =	ssettag $0x1  }
0x1: {  	s0 =	srdreg.scid  }
0x2: {  	s1 =	sshll.u32 s0, $0x4  }
0x3: {  	s4 =	rddreg [dreg:$0x0];
	s0 =	stileid.u32;
	s1 =	sand.u32 $0x10, s1  }
0x4: {  	s2 =	rddreg [dreg:$0x1];
	s7 =	simm.s32 $0x1;
	s1 =	sor.u32 s0, s1  }
0x5: {  	s8 =	simm.s32 $0x2;
	s11 =	simm.s32 $0x0;
	s3 =	sshll.u32 s1, $0x7  }
0x6: {  	s10 =	simm.s32 $0x0;
	s4 =	sadd.s32 $0x800, s4;
	s6 =	ssub.s32 $0x100000, s3  }
.Ltmp0:
0x7: {  	s1 =	rddreg [dreg:$0x2];
	s5 =	sand.u32 $0xF80, s6;
	(pc) =	sbr.rel .LBB1_1-.Ltmp0, $4  }
0x8: {  	_ =	strace $0x8000004A;
	s9 =	smov.u32 s3;
	p0 =	sne.s32 s5, $0x0  }
0x9: {  	s6 =	sshrl.u32 s6, $0xC;
	s5 =	simm.s32 $0x1;
	s7 =	simm.s32 @!p0 $0x0  }
0xa: {  	[sflag:s5] =	ssyncpa.u1 $0x0;
	p0 =	por $0x0, $0x0;
	s6 =	sadd.s32 s7, s6  }
0xb: {  	[sflag:s8] =	ssyncpa.u1 $0x0;
	s8 =	simm.s32 $0x800000;
	s7 =	sadd.s32 $0x1, s6  }
.LBB1_4:
0xc: {  	s14 =	sshll.u32 s11, $0x3  }
0xd: {  	s15 =	sand.u32 $0x78, s11;
	s14 =	sand.u32 $0xFFC00, s14  }
0xe: {  	[tilespmem:s13+$0x810 ss:$0x81] =	vst.msk $0xffff, v2;
	s29 =	sand.u32 $0x7E0000, s11;
	s30 =	sand.u32 $0x7, s11;
	s14 =	sor.u32 s15, s14  }
0xf: {  	[tilespmem:s13+$0x1020 ss:$0x81] =	vst.msk $0xffff, v0;
	s11 =	sshll.u32 s30, $0x12;
	s15 =	sadd.s32 s2, s29;
	s14 =	sshrl.u32 s14, $0x3  }
0x10: {  	[tilespmem:s13+$0x0 ss:$0x81] =	vst.msk $0xffff, v1;
	s11 =	sor.u32 $0x400, s11;
	s31 =	sadd.s32 s14, s15  }
0x11: {  	[hbm4b:s31+s11] =	stream.strided.scatter [tilespmem:s12], [sflag:$0x2], $0x2000, s8, s11, $0x20;
	[tilespmem:$0x8080] =	vst v63  }
.LBB1_5:
0x12: {  	s13 =	sadd.s32 $0x1000, s9  }
0x13: {  	p2 =	sgt.s32 s13, $0xFFFFF  }
0x14: {  	s13 =	smov.u32 @p2 s3;
	p2 =	sne.s32 s10, s7  }
.Ltmp1:
0x15: {  	p1 =	slt.u32 s10, $0x2;
	(pc) =	sbr.rel @!p2 .LBB1_6-.Ltmp1, $4  }
0x16: {  	s12 =	simm.s32 @!p1 $0x2  }
0x17: {  	s14 =	sadd.s32 $0x1, s10;
	_ =	swait.ge @!p1 [sflag:s12], $0x2000  }
0x18: {  	s11 =	smov.u32 s9;
	p0 =	por !p0, !p0;
	[sflag:s12] =	ssyncset.done @!p1 $0x0  }
0x19: {  	s10 =	smov.u32 s14;
	s9 =	smov.u32 s13;
	[sflag:s12] =	ssyncadd.s32 @!p1 $0xFFFFE000  }
.LBB1_1:
0x1a: {  	p1 =	sge.u32 s10, s6  }
0x1b: {  	s31 =	sadd.s32 $0xFFFFFFFF, s10;
	s12 =	sxor.u32 @!p1 $0xFFFFFFFF, s10;
	s13 =	sshll.u32 @!p1 s9, $0x4  }
0x1c: {  	s14 =	simm.s32 @!p1 $0x40;
	s12 =	sshll.u32 @!p1 s12, $0xD;
	s13 =	sand.u32 @!p1 $0xFFFFF0, s13  }
0x1d: {  	s15 =	simm.s32 @!p1 $0x80;
	s12 =	sand.u32 @!p1 $0x2000, s12;
	s13 =	sadd.s32 @!p1 s4, s13  }
0x1e: {  	[tilespmem:s12], [sflag:$0x1] =	stream.strided.gather @!p1 [hbm4b:s13+s14], $0x2000, s15, s14, $0x38;
	[tilespmem:$0x8080] =	vst v63  }
0x1f: {  	p1 =	sge.u32 s31, s6  }
.Ltmp2:
0x20: {  	_ = 	snop;
	(pc) =	sbr.rel @p1 .LBB1_5-.Ltmp2, $1  }
0x21: {  	_ =	sdelay $0x3  }
0x22: {  	s12 =	simm.s32 $0x1  }
0x23: {  	_ =	swait.ge [sflag:s5], $0x2000;
	s12 =	simm.s32 @!p0 $0x0  }
0x24: {  	[sflag:s5] =	ssyncset.done $0x0;
	s13 =	sshll.u32 s12, $0xD  }
0x25: {  	[sflag:s5] =	ssyncadd.s32 $0xFFFFE000;
	s16 =	sor.u32 $0x20, s13  }
0x26: {  	s12 =	smul.u32 $0x8100, s12;
	v3 =	vld [tilespmem:s16+$0x10]  }
0x27: {  	s30 =	sand.u32 $0x1, s10;
	v2 =	vld [tilespmem:s16+$0xFFFFFFF0]  }
0x28: {  	s13 =	smul.u32 $0x8100, s30;
	s12 =	sshrl.u32 s12, $0x2;
	v0 =	vld [tilespmem:s16+$0x0]  }
0x29: {  	v1 =	vld [tilespmem:s16+$0xFFFFFFE0];
	s14 =	sor.u32 $0x4000, s12  }
0x2a: {  	s31 =	sshrl.u32 s13, $0x2;
	s13 =	sadd.s32 $0x0, s14  }
0x2b: {  	s15 =	simm.s32 $0x4;
	s16 =	sadd.s32 $0x40, s16;
	s12 =	sor.u32 $0x4000, s31;
	[tilespmem:s13+$0x1830 ss:$0x81] =	vst.msk $0xffff, v3  }
.LBB1_3:
0x2c: {  	v3 =	vld [tilespmem:s16+$0x10];
	p1 =	sne.s32 s15, $0x1FC;
	[tilespmem:s13+$0x810 ss:$0x81] =	vst.msk $0xffff, v2;
	s17 =	smov.u32 s15;
	s15 =	sadd.s32 $0x4, s15  }
.Ltmp3:
0x2d: {  	v2 =	vld [tilespmem:s16+$0xFFFFFFF0];
	[tilespmem:s13+$0x1020 ss:$0x81] =	vst.msk $0xffff, v0;
	(pc) =	sbr.rel @p1 .LBB1_3-.Ltmp3, $4  }
0x2e: {  	v0 =	vld [tilespmem:s16+$0x0];
	[tilespmem:s13+$0x0 ss:$0x81] =	vst.msk $0xffff, v1  }
0x2f: {  	s13 =	sshra.s32 s17, $0x2;
	v1 =	vld [tilespmem:s16+$0xFFFFFFE0]  }
0x30: {  	s13 =	sadd.s32 s13, s14  }
0x31: {  	s16 =	sadd.s32 $0x40, s16;
	[tilespmem:s13+$0x1830 ss:$0x81] =	vst.msk $0xffff, v3  }
.Ltmp4:
0x32: {  	_ = 	snop;
	(pc) =	sbr.rel .LBB1_4-.Ltmp4, $1  }
0x33: {  	_ =	sdelay $0x3  }
.LBB1_6:
0x34: {  	_ =	sfence.sel $0x180000  }
0x35: {  	s2 =	simm.s32 $0x1;
	[bflag:$0x0] =	sbarrier.arrive $0xFFFF  }
0x36: {  	s31 =	simm.s32 $0x2;
	[sflag:s2] =	ssyncpa.u1 $0x1  }
0x37: {  	[sflag:s31] =	ssyncpa.u1 $0x1  }
0x38: {  	p0 =	sne.s32 s0, $0x0;
	_ =	strace $0x9000004A  }
0x39: {  	s0 =	sadd.s32 @!p0 $0x100000, s1;
	[bflag:$0x2] =	sbarrier.arrive $0xFFFF  }
0x3a: {  	[sflag:s0] =	ssyncadd.tile.s32 @!p0 $0x1;
	_ =	shalt  }
.Lfunc_end1:
_tile_overlayer_lowered:
.L_overlay_start_2:
0x3b: {  	(tag) =	ssettag $0x2  }
0x3c: {  	s0 =	rddreg [dreg:$0x0];
	s2 =	stileid.u32  }
0x3d: {  	s1 =	rddreg [dreg:$0x1];
	p0 =	sne.s32 s2, $0x0  }
0x3e: {  	s3 =	rddreg [dreg:$0x2];
	[bflag:$0x3] =	sbarrier.arrive $0xFFFF;
	s2 =	simm.s32 @!p0 $0x1C01  }
0x3f: {  	[timem:s3], [sflag:s2] =	dma.local @!p0 [hbm:s0], s1  }
0x40: {  	s0 =	simm.s32 @!p0 $0x1  }
0x41: {  	_ =	swait.ge @!p0 [sflag:s0], s1  }
0x42: {  	s1 =	ssub.s32 @!p0 $0x0, s1;
	[sflag:s0] =	ssyncset.done @!p0 $0x0  }
0x43: {  	[sflag:s0] =	ssyncadd.s32 @!p0 s1  }
0x44: {  	[bflag:$0x3] =	sbarrier.arrive $0xFFFF  }
0x45: {  	_ =	shalt  }

</sc_bundles>
